<compile_context>
chip_gen: v7x
topology: tpu7x:2x2x1
jax: 0.10.2.dev20260603
libtpu: 0.0.44.dev20260713+nightly
codegen_flags: <defaults>
</compile_context>

<pallas_src>
import functools

import jax
import jax.numpy as jnp
from jax import lax
from jax.experimental import pallas as pl
from jax.experimental.pallas import tpu as pltpu
from jax.experimental.pallas import tpu_sc as plsc

_NUM_VOCAB = 100000
_EMBED_DIM = 64
_BATCH = 4096
_HIST = 200
_B = _BATCH * _HIST
_NC, _NS = 2, 16
_NW = _NC * _NS
_B_PER_W = _B // _NW
_GATHER = 128
_G_PER_CHUNK = 5
_CHUNK = _G_PER_CHUNK * _GATHER
_N_CHUNKS = _B_PER_W // _CHUNK


@jax.jit
def _sc_gather(idx2d, table):
    mesh = plsc.VectorSubcoreMesh(core_axis_name="c", subcore_axis_name="s")

    @functools.partial(
        pl.kernel,
        out_type=jax.ShapeDtypeStruct((_B, 2 * _EMBED_DIM), jnp.float32),
        mesh=mesh,
        scratch_types=[
            pltpu.VMEM((_B_PER_W,), jnp.int32),
            pltpu.VMEM((2 * _CHUNK, _EMBED_DIM), jnp.float32),
            pltpu.SemaphoreType.DMA,
            pltpu.SemaphoreType.DMA,
            pltpu.SemaphoreType.DMA,
            pltpu.SemaphoreType.DMA,
        ],
        compiler_params=pltpu.CompilerParams(use_tc_tiling_on_sc=False),
    )
    def k(idx_hbm, table_hbm, out_hbm, idx_v, rows_v, g0, g1, s0, s1):
        gsem = (g0, g1)
        ssem = (s0, s1)
        wid = lax.axis_index("s") * _NC + lax.axis_index("c")
        base = wid * _B_PER_W

        pltpu.sync_copy(idx_hbm.at[pl.ds(wid * _B_PER_W, _B_PER_W)], idx_v)

        def rows_slot(b):
            return rows_v.at[pl.ds(b * _CHUNK, _CHUNK)]

        def fire(ci, b):
            for j in range(_G_PER_CHUNK):
                pltpu.async_copy(
                    table_hbm.at[idx_v.at[pl.ds((ci * _G_PER_CHUNK + j) * _GATHER, _GATHER)]],
                    rows_slot(b).at[pl.ds(j * _GATHER, _GATHER)],
                    gsem[b],
                )

        def store(ci, b):
            pltpu.async_copy(
                rows_slot(b),
                out_hbm.at[pl.ds(base + ci * _CHUNK, _CHUNK), pl.ds(0, _EMBED_DIM)],
                ssem[b],
            )

        def drain_gather(b):
            pltpu.make_async_copy(
                table_hbm.at[pl.ds(0, _CHUNK)],
                rows_slot(b),
                gsem[b],
            ).wait()

        def drain_store(b):
            pltpu.make_async_copy(
                rows_slot(b),
                out_hbm.at[pl.ds(0, _CHUNK), pl.ds(0, _EMBED_DIM)],
                ssem[b],
            ).wait()

        fire(0, 0)

        @pl.loop(0, _N_CHUNKS, step=2)
        def _(ci):
            for b in range(2):
                cur = ci + b
                nxt = cur + 1

                @pl.when(nxt < _N_CHUNKS)
                def _():
                    @pl.when(nxt >= 2)
                    def _():
                        drain_store(1 - b)

                    fire(nxt, 1 - b)

                drain_gather(b)
                store(cur, b)

        drain_store(0)
        drain_store(1)

    return k(idx2d, table)


def kernel(seqs, table):
    idx1d = seqs.astype(jnp.int32).reshape(_B)
    out = _sc_gather(idx1d, table)
    return out[:, :_EMBED_DIM].reshape(_BATCH, _HIST, _EMBED_DIM)

# --- scband reference (transcript-rebuilt; emitter-appended) ---
"""Pipeline reference for scband-simplest-encoder-88759794139541 (READ-ONLY COPY).

The authoritative reference and input builder live on the scoring server;
editing this copy changes nothing except your own understanding.
"""

import jax, jax.numpy as jnp
import numpy as np

NUM_VOCAB = 100000
EMBED_DIM = 64
BATCH = 4096
HIST = 200

def setup_inputs(seed: int = 0) -> dict:
    key = jax.random.key(seed)
    k_idx, k_tab = jax.random.split(key)
    seqs = jax.random.randint(k_idx, (BATCH, HIST), 0, NUM_VOCAB, dtype=jnp.int64) if jax.config.jax_enable_x64 else jax.random.randint(k_idx, (BATCH, HIST), 0, NUM_VOCAB, dtype=jnp.int32)
    table = jax.random.normal(k_tab, (NUM_VOCAB, EMBED_DIM), dtype=jnp.float32)
    # padding_idx=0: row 0 of the embedding table is zeros (as in nn.Embedding(padding_idx=0))
    table = table.at[0].set(0.0)
    return {"seqs": seqs, "table": table}

def reference(seqs, table):
    # nn.Embedding forward: gather rows of the table by index.
    # padding_idx handled by table row 0 being zero; multiply by mask to be
    # exactly faithful (output at padding positions is zero).
    emb = jnp.take(table, seqs, axis=0)
    mask = (seqs != 0).astype(emb.dtype)[..., None]
    return emb * mask

if __name__ == "__main__":
    import jax
    _d = setup_inputs()
    print(jax.jit(kernel)(*tuple(_d.values())))

</pallas_src>

<mosaic_0001>
#map = affine_map<(d0, d1) -> (0)>
#map1 = affine_map<(d0, d1) -> (0, 0)>
module attributes {stable_mosaic.version = 14 : i64} {
  func.func @k(%arg0: i32, %arg1: i32, %arg2: memref<819200xi32, #tpu.memory_space<hbm>>, %arg3: memref<100000x64xf32, #tpu.memory_space<hbm>>, %arg4: memref<819200x128xf32, #tpu.memory_space<hbm>>, %arg5: memref<25600xi32, #tpu.memory_space<vmem>>, %arg6: memref<1280x64xf32, #tpu.memory_space<vmem>>, %arg7: memref<!tpu.dma_semaphore, #tpu.memory_space<semaphore_mem>>, %arg8: memref<!tpu.dma_semaphore, #tpu.memory_space<semaphore_mem>>, %arg9: memref<!tpu.dma_semaphore, #tpu.memory_space<semaphore_mem>>, %arg10: memref<!tpu.dma_semaphore, #tpu.memory_space<semaphore_mem>>) attributes {dimension_semantics = [#tpu.dimension_semantics<core_parallel>, #tpu.dimension_semantics<subcore_parallel>], iteration_bounds = array<i64: 2, 16>, scalar_prefetch = 0 : i64, scratch_operands = 6 : i64, tpu.core_type = #tpu.core_type<sc_vector_subcore>, window_params = [{transform_indices = #map}, {transform_indices = #map1}, {transform_indices = #map1}]} {
    %mul3A = arith.constant 2 : i32
    %mul3A_0 = arith.muli %arg1, %mul3A : i32
    %add3A = arith.addi %mul3A_0, %arg0 : i32
    %mul3A_1 = arith.constant 25600 : i32
    %mul3A_2 = arith.muli %add3A, %mul3A_1 : i32
    %mul3A_3 = arith.constant 25600 : i32
    %mul3A_4 = arith.muli %add3A, %mul3A_3 : i32
    "tpu.region"() ({
      %run_scoped3A = tpu.sem_alloc : memref<!tpu.dma_semaphore, #tpu.memory_space<semaphore_mem>>
      %dma_start3A_86 = tpu.memref_slice %arg2[%mul3A_4] : memref<819200xi32, #tpu.memory_space<hbm>> -> memref<25600xi32, #tpu.memory_space<hbm>>
      %dma_start3A_87 = tpu.memref_slice %arg2[%mul3A_4] : memref<819200xi32, #tpu.memory_space<hbm>> -> memref<25600xi32, #tpu.memory_space<hbm>>
      tpu.enqueue_dma source(%dma_start3A_87 : memref<25600xi32, #tpu.memory_space<hbm>>) target(%arg5 : memref<25600xi32, #tpu.memory_space<vmem>>) target_semaphore(%run_scoped3A : memref<!tpu.dma_semaphore, #tpu.memory_space<semaphore_mem>>)
      %dma_wait3A_88 = tpu.memref_slice %arg2[%mul3A_4] : memref<819200xi32, #tpu.memory_space<hbm>> -> memref<25600xi32, #tpu.memory_space<hbm>>
      %dma_wait3A_89 = tpu.memref_slice %arg2[%mul3A_4] : memref<819200xi32, #tpu.memory_space<hbm>> -> memref<25600xi32, #tpu.memory_space<hbm>>
      tpu.wait_dma2 semaphore(%run_scoped3A : memref<!tpu.dma_semaphore, #tpu.memory_space<semaphore_mem>>) src(%dma_wait3A_89 : memref<25600xi32, #tpu.memory_space<hbm>>) dst(%arg5 : memref<25600xi32, #tpu.memory_space<vmem>>)
      tpu.yield
    }) : () -> ()
    %dma_start3A = arith.constant 0 : i32
    %dma_start3A_5 = arith.constant 0 : i32
    %dma_start3A_6 = tpu.memref_slice %arg6[%dma_start3A, %dma_start3A_5] : memref<1280x64xf32, #tpu.memory_space<vmem>> -> memref<640x64xf32, #tpu.memory_space<vmem>>
    %dma_start3A_7 = arith.constant 0 : i32
    %dma_start3A_8 = arith.constant 0 : i32
    %dma_start3A_9 = tpu.memref_slice %dma_start3A_6[%dma_start3A_7, %dma_start3A_8] : memref<640x64xf32, #tpu.memory_space<vmem>> -> memref<128x64xf32, #tpu.memory_space<vmem>>
    %dma_start3A_10 = arith.constant 0 : i32
    %dma_start3A_11 = tpu.memref_slice %arg5[%dma_start3A_10] : memref<25600xi32, #tpu.memory_space<vmem>> -> memref<128xi32, #tpu.memory_space<vmem>>
    %dma_start3A_12 = arith.constant 0 : i32
    %dma_start3A_13 = arith.constant 0 : i32
    %dma_start3A_14 = tpu.memref_slice %arg3[%dma_start3A_12, %dma_start3A_13] : memref<100000x64xf32, #tpu.memory_space<hbm>> -> memref<100000x64xf32, #tpu.memory_space<hbm>>
    tpu.enqueue_indirect_dma source(%dma_start3A_14 : memref<100000x64xf32, #tpu.memory_space<hbm>>) target(%dma_start3A_9 : memref<128x64xf32, #tpu.memory_space<vmem>>) offsets(%dma_start3A_11 : memref<128xi32, #tpu.memory_space<vmem>>) semaphore(%arg7 : memref<!tpu.dma_semaphore, #tpu.memory_space<semaphore_mem>>)
    %dma_start3A_15 = arith.constant 0 : i32
    %dma_start3A_16 = arith.constant 0 : i32
    %dma_start3A_17 = tpu.memref_slice %arg6[%dma_start3A_15, %dma_start3A_16] : memref<1280x64xf32, #tpu.memory_space<vmem>> -> memref<640x64xf32, #tpu.memory_space<vmem>>
    %dma_start3A_18 = arith.constant 128 : i32
    %dma_start3A_19 = arith.constant 0 : i32
    %dma_start3A_20 = tpu.memref_slice %dma_start3A_17[%dma_start3A_18, %dma_start3A_19] : memref<640x64xf32, #tpu.memory_space<vmem>> -> memref<128x64xf32, #tpu.memory_space<vmem>>
    %dma_start3A_21 = arith.constant 128 : i32
    %dma_start3A_22 = tpu.memref_slice %arg5[%dma_start3A_21] : memref<25600xi32, #tpu.memory_space<vmem>> -> memref<128xi32, #tpu.memory_space<vmem>>
    %dma_start3A_23 = arith.constant 0 : i32
    %dma_start3A_24 = arith.constant 0 : i32
    %dma_start3A_25 = tpu.memref_slice %arg3[%dma_start3A_23, %dma_start3A_24] : memref<100000x64xf32, #tpu.memory_space<hbm>> -> memref<100000x64xf32, #tpu.memory_space<hbm>>
    tpu.enqueue_indirect_dma source(%dma_start3A_25 : memref<100000x64xf32, #tpu.memory_space<hbm>>) target(%dma_start3A_20 : memref<128x64xf32, #tpu.memory_space<vmem>>) offsets(%dma_start3A_22 : memref<128xi32, #tpu.memory_space<vmem>>) semaphore(%arg7 : memref<!tpu.dma_semaphore, #tpu.memory_space<semaphore_mem>>)
    %dma_start3A_26 = arith.constant 0 : i32
    %dma_start3A_27 = arith.constant 0 : i32
    %dma_start3A_28 = tpu.memref_slice %arg6[%dma_start3A_26, %dma_start3A_27] : memref<1280x64xf32, #tpu.memory_space<vmem>> -> memref<640x64xf32, #tpu.memory_space<vmem>>
    %dma_start3A_29 = arith.constant 256 : i32
    %dma_start3A_30 = arith.constant 0 : i32
    %dma_start3A_31 = tpu.memref_slice %dma_start3A_28[%dma_start3A_29, %dma_start3A_30] : memref<640x64xf32, #tpu.memory_space<vmem>> -> memref<128x64xf32, #tpu.memory_space<vmem>>
    %dma_start3A_32 = arith.constant 256 : i32
    %dma_start3A_33 = tpu.memref_slice %arg5[%dma_start3A_32] : memref<25600xi32, #tpu.memory_space<vmem>> -> memref<128xi32, #tpu.memory_space<vmem>>
    %dma_start3A_34 = arith.constant 0 : i32
    %dma_start3A_35 = arith.constant 0 : i32
    %dma_start3A_36 = tpu.memref_slice %arg3[%dma_start3A_34, %dma_start3A_35] : memref<100000x64xf32, #tpu.memory_space<hbm>> -> memref<100000x64xf32, #tpu.memory_space<hbm>>
    tpu.enqueue_indirect_dma source(%dma_start3A_36 : memref<100000x64xf32, #tpu.memory_space<hbm>>) target(%dma_start3A_31 : memref<128x64xf32, #tpu.memory_space<vmem>>) offsets(%dma_start3A_33 : memref<128xi32, #tpu.memory_space<vmem>>) semaphore(%arg7 : memref<!tpu.dma_semaphore, #tpu.memory_space<semaphore_mem>>)
    %dma_start3A_37 = arith.constant 0 : i32
    %dma_start3A_38 = arith.constant 0 : i32
    %dma_start3A_39 = tpu.memref_slice %arg6[%dma_start3A_37, %dma_start3A_38] : memref<1280x64xf32, #tpu.memory_space<vmem>> -> memref<640x64xf32, #tpu.memory_space<vmem>>
    %dma_start3A_40 = arith.constant 384 : i32
    %dma_start3A_41 = arith.constant 0 : i32
    %dma_start3A_42 = tpu.memref_slice %dma_start3A_39[%dma_start3A_40, %dma_start3A_41] : memref<640x64xf32, #tpu.memory_space<vmem>> -> memref<128x64xf32, #tpu.memory_space<vmem>>
    %dma_start3A_43 = arith.constant 384 : i32
    %dma_start3A_44 = tpu.memref_slice %arg5[%dma_start3A_43] : memref<25600xi32, #tpu.memory_space<vmem>> -> memref<128xi32, #tpu.memory_space<vmem>>
    %dma_start3A_45 = arith.constant 0 : i32
    %dma_start3A_46 = arith.constant 0 : i32
    %dma_start3A_47 = tpu.memref_slice %arg3[%dma_start3A_45, %dma_start3A_46] : memref<100000x64xf32, #tpu.memory_space<hbm>> -> memref<100000x64xf32, #tpu.memory_space<hbm>>
    tpu.enqueue_indirect_dma source(%dma_start3A_47 : memref<100000x64xf32, #tpu.memory_space<hbm>>) target(%dma_start3A_42 : memref<128x64xf32, #tpu.memory_space<vmem>>) offsets(%dma_start3A_44 : memref<128xi32, #tpu.memory_space<vmem>>) semaphore(%arg7 : memref<!tpu.dma_semaphore, #tpu.memory_space<semaphore_mem>>)
    %dma_start3A_48 = arith.constant 0 : i32
    %dma_start3A_49 = arith.constant 0 : i32
    %dma_start3A_50 = tpu.memref_slice %arg6[%dma_start3A_48, %dma_start3A_49] : memref<1280x64xf32, #tpu.memory_space<vmem>> -> memref<640x64xf32, #tpu.memory_space<vmem>>
    %dma_start3A_51 = arith.constant 512 : i32
    %dma_start3A_52 = arith.constant 0 : i32
    %dma_start3A_53 = tpu.memref_slice %dma_start3A_50[%dma_start3A_51, %dma_start3A_52] : memref<640x64xf32, #tpu.memory_space<vmem>> -> memref<128x64xf32, #tpu.memory_space<vmem>>
    %dma_start3A_54 = arith.constant 512 : i32
    %dma_start3A_55 = tpu.memref_slice %arg5[%dma_start3A_54] : memref<25600xi32, #tpu.memory_space<vmem>> -> memref<128xi32, #tpu.memory_space<vmem>>
    %dma_start3A_56 = arith.constant 0 : i32
    %dma_start3A_57 = arith.constant 0 : i32
    %dma_start3A_58 = tpu.memref_slice %arg3[%dma_start3A_56, %dma_start3A_57] : memref<100000x64xf32, #tpu.memory_space<hbm>> -> memref<100000x64xf32, #tpu.memory_space<hbm>>
    tpu.enqueue_indirect_dma source(%dma_start3A_58 : memref<100000x64xf32, #tpu.memory_space<hbm>>) target(%dma_start3A_53 : memref<128x64xf32, #tpu.memory_space<vmem>>) offsets(%dma_start3A_55 : memref<128xi32, #tpu.memory_space<vmem>>) semaphore(%arg7 : memref<!tpu.dma_semaphore, #tpu.memory_space<semaphore_mem>>)
    %scan3A = arith.constant 0 : i32
    %scan3A_59 = arith.constant 20 : i32
    %scan3A_60 = arith.addi %scan3A, %scan3A_59 : i32
    %scan3A_61 = arith.constant 1 : i32
    scf.for %scan3A_86 = %scan3A to %scan3A_60 step %scan3A_61  : i32 {
      %mul3A_87 = arith.constant 2 : i32
      %mul3A_88 = arith.muli %scan3A_86, %mul3A_87 : i32
      %add3A_89 = arith.constant 0 : i32
      %add3A_90 = arith.addi %add3A_89, %mul3A_88 : i32
      %add3A_91 = arith.constant 0 : i32
      %add3A_92 = arith.addi %add3A_90, %add3A_91 : i32
      %add3A_93 = arith.constant 1 : i32
      %add3A_94 = arith.addi %add3A_92, %add3A_93 : i32
      %lt3A = arith.constant 40 : i32
      %lt3A_95 = arith.cmpi slt, %add3A_94, %lt3A : i32
      %convert_element_type3A = arith.extui %lt3A_95 : i1 to i32
      %cond3A = arith.constant 0 : i32
      %cond3A_96 = arith.cmpi ne, %convert_element_type3A, %cond3A : i32
      scf.if %cond3A_96 {
        %ge3A = arith.constant 2 : i32
        %ge3A_156 = arith.cmpi sge, %add3A_94, %ge3A : i32
        %convert_element_type3A_157 = arith.extui %ge3A_156 : i1 to i32
        %cond3A_158 = arith.constant 0 : i32
        %cond3A_159 = arith.cmpi ne, %convert_element_type3A_157, %cond3A_158 : i32
        scf.if %cond3A_159 {
          %dma_wait3A_240 = arith.constant 640 : i32
          %dma_wait3A_241 = arith.constant 0 : i32
          %dma_wait3A_242 = tpu.memref_slice %arg6[%dma_wait3A_240, %dma_wait3A_241] : memref<1280x64xf32, #tpu.memory_space<vmem>> -> memref<640x64xf32, #tpu.memory_space<vmem>>
          %dma_wait3A_243 = arith.constant 0 : i32
          %dma_wait3A_244 = arith.constant 0 : i32
          %dma_wait3A_245 = tpu.memref_slice %arg4[%dma_wait3A_243, %dma_wait3A_244] : memref<819200x128xf32, #tpu.memory_space<hbm>> -> memref<640x64xf32, #tpu.memory_space<hbm>>
          %dma_wait3A_246 = arith.constant 0 : i32
          %dma_wait3A_247 = arith.constant 0 : i32
          %dma_wait3A_248 = tpu.memref_slice %arg4[%dma_wait3A_246, %dma_wait3A_247] : memref<819200x128xf32, #tpu.memory_space<hbm>> -> memref<640x64xf32, #tpu.memory_space<hbm>>
          %dma_wait3A_249 = arith.constant 640 : i32
          %dma_wait3A_250 = arith.constant 0 : i32
          %dma_wait3A_251 = tpu.memref_slice %arg6[%dma_wait3A_249, %dma_wait3A_250] : memref<1280x64xf32, #tpu.memory_space<vmem>> -> memref<640x64xf32, #tpu.memory_space<vmem>>
          tpu.wait_dma2 semaphore(%arg10 : memref<!tpu.dma_semaphore, #tpu.memory_space<semaphore_mem>>) src(%dma_wait3A_251 : memref<640x64xf32, #tpu.memory_space<vmem>>) dst(%dma_wait3A_248 : memref<640x64xf32, #tpu.memory_space<hbm>>)
        } else {
        }
        %mul3A_160 = arith.constant 5 : i32
        %mul3A_161 = arith.muli %add3A_94, %mul3A_160 : i32
        %add3A_162 = arith.constant 0 : i32
        %add3A_163 = arith.addi %mul3A_161, %add3A_162 : i32
        %mul3A_164 = arith.constant 128 : i32
        %mul3A_165 = arith.muli %add3A_163, %mul3A_164 : i32
        %dma_start3A_166 = arith.constant 640 : i32
        %dma_start3A_167 = arith.constant 0 : i32
        %dma_start3A_168 = tpu.memref_slice %arg6[%dma_start3A_166, %dma_start3A_167] : memref<1280x64xf32, #tpu.memory_space<vmem>> -> memref<640x64xf32, #tpu.memory_space<vmem>>
        %dma_start3A_169 = arith.constant 0 : i32
        %dma_start3A_170 = arith.constant 0 : i32
        %dma_start3A_171 = tpu.memref_slice %dma_start3A_168[%dma_start3A_169, %dma_start3A_170] : memref<640x64xf32, #tpu.memory_space<vmem>> -> memref<128x64xf32, #tpu.memory_space<vmem>>
        %dma_start3A_172 = tpu.memref_slice %arg5[%mul3A_165] : memref<25600xi32, #tpu.memory_space<vmem>> -> memref<128xi32, #tpu.memory_space<vmem>>
        %dma_start3A_173 = arith.constant 0 : i32
        %dma_start3A_174 = arith.constant 0 : i32
        %dma_start3A_175 = tpu.memref_slice %arg3[%dma_start3A_173, %dma_start3A_174] : memref<100000x64xf32, #tpu.memory_space<hbm>> -> memref<100000x64xf32, #tpu.memory_space<hbm>>
        tpu.enqueue_indirect_dma source(%dma_start3A_175 : memref<100000x64xf32, #tpu.memory_space<hbm>>) target(%dma_start3A_171 : memref<128x64xf32, #tpu.memory_space<vmem>>) offsets(%dma_start3A_172 : memref<128xi32, #tpu.memory_space<vmem>>) semaphore(%arg8 : memref<!tpu.dma_semaphore, #tpu.memory_space<semaphore_mem>>)
        %mul3A_176 = arith.constant 5 : i32
        %mul3A_177 = arith.muli %add3A_94, %mul3A_176 : i32
        %add3A_178 = arith.constant 1 : i32
        %add3A_179 = arith.addi %mul3A_177, %add3A_178 : i32
        %mul3A_180 = arith.constant 128 : i32
        %mul3A_181 = arith.muli %add3A_179, %mul3A_180 : i32
        %dma_start3A_182 = arith.constant 640 : i32
        %dma_start3A_183 = arith.constant 0 : i32
        %dma_start3A_184 = tpu.memref_slice %arg6[%dma_start3A_182, %dma_start3A_183] : memref<1280x64xf32, #tpu.memory_space<vmem>> -> memref<640x64xf32, #tpu.memory_space<vmem>>
        %dma_start3A_185 = arith.constant 128 : i32
        %dma_start3A_186 = arith.constant 0 : i32
        %dma_start3A_187 = tpu.memref_slice %dma_start3A_184[%dma_start3A_185, %dma_start3A_186] : memref<640x64xf32, #tpu.memory_space<vmem>> -> memref<128x64xf32, #tpu.memory_space<vmem>>
        %dma_start3A_188 = tpu.memref_slice %arg5[%mul3A_181] : memref<25600xi32, #tpu.memory_space<vmem>> -> memref<128xi32, #tpu.memory_space<vmem>>
        %dma_start3A_189 = arith.constant 0 : i32
        %dma_start3A_190 = arith.constant 0 : i32
        %dma_start3A_191 = tpu.memref_slice %arg3[%dma_start3A_189, %dma_start3A_190] : memref<100000x64xf32, #tpu.memory_space<hbm>> -> memref<100000x64xf32, #tpu.memory_space<hbm>>
        tpu.enqueue_indirect_dma source(%dma_start3A_191 : memref<100000x64xf32, #tpu.memory_space<hbm>>) target(%dma_start3A_187 : memref<128x64xf32, #tpu.memory_space<vmem>>) offsets(%dma_start3A_188 : memref<128xi32, #tpu.memory_space<vmem>>) semaphore(%arg8 : memref<!tpu.dma_semaphore, #tpu.memory_space<semaphore_mem>>)
        %mul3A_192 = arith.constant 5 : i32
        %mul3A_193 = arith.muli %add3A_94, %mul3A_192 : i32
        %add3A_194 = arith.constant 2 : i32
        %add3A_195 = arith.addi %mul3A_193, %add3A_194 : i32
        %mul3A_196 = arith.constant 128 : i32
        %mul3A_197 = arith.muli %add3A_195, %mul3A_196 : i32
        %dma_start3A_198 = arith.constant 640 : i32
        %dma_start3A_199 = arith.constant 0 : i32
        %dma_start3A_200 = tpu.memref_slice %arg6[%dma_start3A_198, %dma_start3A_199] : memref<1280x64xf32, #tpu.memory_space<vmem>> -> memref<640x64xf32, #tpu.memory_space<vmem>>
        %dma_start3A_201 = arith.constant 256 : i32
        %dma_start3A_202 = arith.constant 0 : i32
        %dma_start3A_203 = tpu.memref_slice %dma_start3A_200[%dma_start3A_201, %dma_start3A_202] : memref<640x64xf32, #tpu.memory_space<vmem>> -> memref<128x64xf32, #tpu.memory_space<vmem>>
        %dma_start3A_204 = tpu.memref_slice %arg5[%mul3A_197] : memref<25600xi32, #tpu.memory_space<vmem>> -> memref<128xi32, #tpu.memory_space<vmem>>
        %dma_start3A_205 = arith.constant 0 : i32
        %dma_start3A_206 = arith.constant 0 : i32
        %dma_start3A_207 = tpu.memref_slice %arg3[%dma_start3A_205, %dma_start3A_206] : memref<100000x64xf32, #tpu.memory_space<hbm>> -> memref<100000x64xf32, #tpu.memory_space<hbm>>
        tpu.enqueue_indirect_dma source(%dma_start3A_207 : memref<100000x64xf32, #tpu.memory_space<hbm>>) target(%dma_start3A_203 : memref<128x64xf32, #tpu.memory_space<vmem>>) offsets(%dma_start3A_204 : memref<128xi32, #tpu.memory_space<vmem>>) semaphore(%arg8 : memref<!tpu.dma_semaphore, #tpu.memory_space<semaphore_mem>>)
        %mul3A_208 = arith.constant 5 : i32
        %mul3A_209 = arith.muli %add3A_94, %mul3A_208 : i32
        %add3A_210 = arith.constant 3 : i32
        %add3A_211 = arith.addi %mul3A_209, %add3A_210 : i32
        %mul3A_212 = arith.constant 128 : i32
        %mul3A_213 = arith.muli %add3A_211, %mul3A_212 : i32
        %dma_start3A_214 = arith.constant 640 : i32
        %dma_start3A_215 = arith.constant 0 : i32
        %dma_start3A_216 = tpu.memref_slice %arg6[%dma_start3A_214, %dma_start3A_215] : memref<1280x64xf32, #tpu.memory_space<vmem>> -> memref<640x64xf32, #tpu.memory_space<vmem>>
        %dma_start3A_217 = arith.constant 384 : i32
        %dma_start3A_218 = arith.constant 0 : i32
        %dma_start3A_219 = tpu.memref_slice %dma_start3A_216[%dma_start3A_217, %dma_start3A_218] : memref<640x64xf32, #tpu.memory_space<vmem>> -> memref<128x64xf32, #tpu.memory_space<vmem>>
        %dma_start3A_220 = tpu.memref_slice %arg5[%mul3A_213] : memref<25600xi32, #tpu.memory_space<vmem>> -> memref<128xi32, #tpu.memory_space<vmem>>
        %dma_start3A_221 = arith.constant 0 : i32
        %dma_start3A_222 = arith.constant 0 : i32
        %dma_start3A_223 = tpu.memref_slice %arg3[%dma_start3A_221, %dma_start3A_222] : memref<100000x64xf32, #tpu.memory_space<hbm>> -> memref<100000x64xf32, #tpu.memory_space<hbm>>
        tpu.enqueue_indirect_dma source(%dma_start3A_223 : memref<100000x64xf32, #tpu.memory_space<hbm>>) target(%dma_start3A_219 : memref<128x64xf32, #tpu.memory_space<vmem>>) offsets(%dma_start3A_220 : memref<128xi32, #tpu.memory_space<vmem>>) semaphore(%arg8 : memref<!tpu.dma_semaphore, #tpu.memory_space<semaphore_mem>>)
        %mul3A_224 = arith.constant 5 : i32
        %mul3A_225 = arith.muli %add3A_94, %mul3A_224 : i32
        %add3A_226 = arith.constant 4 : i32
        %add3A_227 = arith.addi %mul3A_225, %add3A_226 : i32
        %mul3A_228 = arith.constant 128 : i32
        %mul3A_229 = arith.muli %add3A_227, %mul3A_228 : i32
        %dma_start3A_230 = arith.constant 640 : i32
        %dma_start3A_231 = arith.constant 0 : i32
        %dma_start3A_232 = tpu.memref_slice %arg6[%dma_start3A_230, %dma_start3A_231] : memref<1280x64xf32, #tpu.memory_space<vmem>> -> memref<640x64xf32, #tpu.memory_space<vmem>>
        %dma_start3A_233 = arith.constant 512 : i32
        %dma_start3A_234 = arith.constant 0 : i32
        %dma_start3A_235 = tpu.memref_slice %dma_start3A_232[%dma_start3A_233, %dma_start3A_234] : memref<640x64xf32, #tpu.memory_space<vmem>> -> memref<128x64xf32, #tpu.memory_space<vmem>>
        %dma_start3A_236 = tpu.memref_slice %arg5[%mul3A_229] : memref<25600xi32, #tpu.memory_space<vmem>> -> memref<128xi32, #tpu.memory_space<vmem>>
        %dma_start3A_237 = arith.constant 0 : i32
        %dma_start3A_238 = arith.constant 0 : i32
        %dma_start3A_239 = tpu.memref_slice %arg3[%dma_start3A_237, %dma_start3A_238] : memref<100000x64xf32, #tpu.memory_space<hbm>> -> memref<100000x64xf32, #tpu.memory_space<hbm>>
        tpu.enqueue_indirect_dma source(%dma_start3A_239 : memref<100000x64xf32, #tpu.memory_space<hbm>>) target(%dma_start3A_235 : memref<128x64xf32, #tpu.memory_space<vmem>>) offsets(%dma_start3A_236 : memref<128xi32, #tpu.memory_space<vmem>>) semaphore(%arg8 : memref<!tpu.dma_semaphore, #tpu.memory_space<semaphore_mem>>)
      } else {
      }
      %dma_wait3A_97 = arith.constant 0 : i32
      %dma_wait3A_98 = arith.constant 0 : i32
      %dma_wait3A_99 = tpu.memref_slice %arg6[%dma_wait3A_97, %dma_wait3A_98] : memref<1280x64xf32, #tpu.memory_space<vmem>> -> memref<640x64xf32, #tpu.memory_space<vmem>>
      %dma_wait3A_100 = arith.constant 0 : i32
      %dma_wait3A_101 = arith.constant 0 : i32
      %dma_wait3A_102 = tpu.memref_slice %arg3[%dma_wait3A_100, %dma_wait3A_101] : memref<100000x64xf32, #tpu.memory_space<hbm>> -> memref<640x64xf32, #tpu.memory_space<hbm>>
      %dma_wait3A_103 = arith.constant 0 : i32
      %dma_wait3A_104 = arith.constant 0 : i32
      %dma_wait3A_105 = tpu.memref_slice %arg6[%dma_wait3A_103, %dma_wait3A_104] : memref<1280x64xf32, #tpu.memory_space<vmem>> -> memref<640x64xf32, #tpu.memory_space<vmem>>
      %dma_wait3A_106 = arith.constant 0 : i32
      %dma_wait3A_107 = arith.constant 0 : i32
      %dma_wait3A_108 = tpu.memref_slice %arg3[%dma_wait3A_106, %dma_wait3A_107] : memref<100000x64xf32, #tpu.memory_space<hbm>> -> memref<640x64xf32, #tpu.memory_space<hbm>>
      tpu.wait_dma2 semaphore(%arg7 : memref<!tpu.dma_semaphore, #tpu.memory_space<semaphore_mem>>) src(%dma_wait3A_108 : memref<640x64xf32, #tpu.memory_space<hbm>>) dst(%dma_wait3A_105 : memref<640x64xf32, #tpu.memory_space<vmem>>)
      %mul3A_109 = arith.constant 640 : i32
      %mul3A_110 = arith.muli %add3A_92, %mul3A_109 : i32
      %add3A_111 = arith.addi %mul3A_2, %mul3A_110 : i32
      %dma_start3A_112 = arith.constant 0 : i32
      %dma_start3A_113 = arith.constant 0 : i32
      %dma_start3A_114 = tpu.memref_slice %arg6[%dma_start3A_112, %dma_start3A_113] : memref<1280x64xf32, #tpu.memory_space<vmem>> -> memref<640x64xf32, #tpu.memory_space<vmem>>
      %dma_start3A_115 = arith.constant 0 : i32
      %dma_start3A_116 = tpu.memref_slice %arg4[%add3A_111, %dma_start3A_115] : memref<819200x128xf32, #tpu.memory_space<hbm>> -> memref<640x64xf32, #tpu.memory_space<hbm>>
      %dma_start3A_117 = arith.constant 0 : i32
      %dma_start3A_118 = tpu.memref_slice %arg4[%add3A_111, %dma_start3A_117] : memref<819200x128xf32, #tpu.memory_space<hbm>> -> memref<640x64xf32, #tpu.memory_space<hbm>>
      %dma_start3A_119 = arith.constant 0 : i32
      %dma_start3A_120 = arith.constant 0 : i32
      %dma_start3A_121 = tpu.memref_slice %arg6[%dma_start3A_119, %dma_start3A_120] : memref<1280x64xf32, #tpu.memory_space<vmem>> -> memref<640x64xf32, #tpu.memory_space<vmem>>
      tpu.enqueue_dma source(%dma_start3A_121 : memref<640x64xf32, #tpu.memory_space<vmem>>) target(%dma_start3A_118 : memref<640x64xf32, #tpu.memory_space<hbm>>) target_semaphore(%arg9 : memref<!tpu.dma_semaphore, #tpu.memory_space<semaphore_mem>>)
      %add3A_122 = arith.constant 1 : i32
      %add3A_123 = arith.addi %add3A_90, %add3A_122 : i32
      %add3A_124 = arith.constant 1 : i32
      %add3A_125 = arith.addi %add3A_123, %add3A_124 : i32
      %lt3A_126 = arith.constant 40 : i32
      %lt3A_127 = arith.cmpi slt, %add3A_125, %lt3A_126 : i32
      %convert_element_type3A_128 = arith.extui %lt3A_127 : i1 to i32
      %cond3A_129 = arith.constant 0 : i32
      %cond3A_130 = arith.cmpi ne, %convert_element_type3A_128, %cond3A_129 : i32
      scf.if %cond3A_130 {
        %ge3A = arith.constant 2 : i32
        %ge3A_156 = arith.cmpi sge, %add3A_125, %ge3A : i32
        %convert_element_type3A_157 = arith.extui %ge3A_156 : i1 to i32
        %cond3A_158 = arith.constant 0 : i32
        %cond3A_159 = arith.cmpi ne, %convert_element_type3A_157, %cond3A_158 : i32
        scf.if %cond3A_159 {
          %dma_wait3A_240 = arith.constant 0 : i32
          %dma_wait3A_241 = arith.constant 0 : i32
          %dma_wait3A_242 = tpu.memref_slice %arg6[%dma_wait3A_240, %dma_wait3A_241] : memref<1280x64xf32, #tpu.memory_space<vmem>> -> memref<640x64xf32, #tpu.memory_space<vmem>>
          %dma_wait3A_243 = arith.constant 0 : i32
          %dma_wait3A_244 = arith.constant 0 : i32
          %dma_wait3A_245 = tpu.memref_slice %arg4[%dma_wait3A_243, %dma_wait3A_244] : memref<819200x128xf32, #tpu.memory_space<hbm>> -> memref<640x64xf32, #tpu.memory_space<hbm>>
          %dma_wait3A_246 = arith.constant 0 : i32
          %dma_wait3A_247 = arith.constant 0 : i32
          %dma_wait3A_248 = tpu.memref_slice %arg4[%dma_wait3A_246, %dma_wait3A_247] : memref<819200x128xf32, #tpu.memory_space<hbm>> -> memref<640x64xf32, #tpu.memory_space<hbm>>
          %dma_wait3A_249 = arith.constant 0 : i32
          %dma_wait3A_250 = arith.constant 0 : i32
          %dma_wait3A_251 = tpu.memref_slice %arg6[%dma_wait3A_249, %dma_wait3A_250] : memref<1280x64xf32, #tpu.memory_space<vmem>> -> memref<640x64xf32, #tpu.memory_space<vmem>>
          tpu.wait_dma2 semaphore(%arg9 : memref<!tpu.dma_semaphore, #tpu.memory_space<semaphore_mem>>) src(%dma_wait3A_251 : memref<640x64xf32, #tpu.memory_space<vmem>>) dst(%dma_wait3A_248 : memref<640x64xf32, #tpu.memory_space<hbm>>)
        } else {
        }
        %mul3A_160 = arith.constant 5 : i32
        %mul3A_161 = arith.muli %add3A_125, %mul3A_160 : i32
        %add3A_162 = arith.constant 0 : i32
        %add3A_163 = arith.addi %mul3A_161, %add3A_162 : i32
        %mul3A_164 = arith.constant 128 : i32
        %mul3A_165 = arith.muli %add3A_163, %mul3A_164 : i32
        %dma_start3A_166 = arith.constant 0 : i32
        %dma_start3A_167 = arith.constant 0 : i32
        %dma_start3A_168 = tpu.memref_slice %arg6[%dma_start3A_166, %dma_start3A_167] : memref<1280x64xf32, #tpu.memory_space<vmem>> -> memref<640x64xf32, #tpu.memory_space<vmem>>
        %dma_start3A_169 = arith.constant 0 : i32
        %dma_start3A_170 = arith.constant 0 : i32
        %dma_start3A_171 = tpu.memref_slice %dma_start3A_168[%dma_start3A_169, %dma_start3A_170] : memref<640x64xf32, #tpu.memory_space<vmem>> -> memref<128x64xf32, #tpu.memory_space<vmem>>
        %dma_start3A_172 = tpu.memref_slice %arg5[%mul3A_165] : memref<25600xi32, #tpu.memory_space<vmem>> -> memref<128xi32, #tpu.memory_space<vmem>>
        %dma_start3A_173 = arith.constant 0 : i32
        %dma_start3A_174 = arith.constant 0 : i32
        %dma_start3A_175 = tpu.memref_slice %arg3[%dma_start3A_173, %dma_start3A_174] : memref<100000x64xf32, #tpu.memory_space<hbm>> -> memref<100000x64xf32, #tpu.memory_space<hbm>>
        tpu.enqueue_indirect_dma source(%dma_start3A_175 : memref<100000x64xf32, #tpu.memory_space<hbm>>) target(%dma_start3A_171 : memref<128x64xf32, #tpu.memory_space<vmem>>) offsets(%dma_start3A_172 : memref<128xi32, #tpu.memory_space<vmem>>) semaphore(%arg7 : memref<!tpu.dma_semaphore, #tpu.memory_space<semaphore_mem>>)
        %mul3A_176 = arith.constant 5 : i32
        %mul3A_177 = arith.muli %add3A_125, %mul3A_176 : i32
        %add3A_178 = arith.constant 1 : i32
        %add3A_179 = arith.addi %mul3A_177, %add3A_178 : i32
        %mul3A_180 = arith.constant 128 : i32
        %mul3A_181 = arith.muli %add3A_179, %mul3A_180 : i32
        %dma_start3A_182 = arith.constant 0 : i32
        %dma_start3A_183 = arith.constant 0 : i32
        %dma_start3A_184 = tpu.memref_slice %arg6[%dma_start3A_182, %dma_start3A_183] : memref<1280x64xf32, #tpu.memory_space<vmem>> -> memref<640x64xf32, #tpu.memory_space<vmem>>
        %dma_start3A_185 = arith.constant 128 : i32
        %dma_start3A_186 = arith.constant 0 : i32
        %dma_start3A_187 = tpu.memref_slice %dma_start3A_184[%dma_start3A_185, %dma_start3A_186] : memref<640x64xf32, #tpu.memory_space<vmem>> -> memref<128x64xf32, #tpu.memory_space<vmem>>
        %dma_start3A_188 = tpu.memref_slice %arg5[%mul3A_181] : memref<25600xi32, #tpu.memory_space<vmem>> -> memref<128xi32, #tpu.memory_space<vmem>>
        %dma_start3A_189 = arith.constant 0 : i32
        %dma_start3A_190 = arith.constant 0 : i32
        %dma_start3A_191 = tpu.memref_slice %arg3[%dma_start3A_189, %dma_start3A_190] : memref<100000x64xf32, #tpu.memory_space<hbm>> -> memref<100000x64xf32, #tpu.memory_space<hbm>>
        tpu.enqueue_indirect_dma source(%dma_start3A_191 : memref<100000x64xf32, #tpu.memory_space<hbm>>) target(%dma_start3A_187 : memref<128x64xf32, #tpu.memory_space<vmem>>) offsets(%dma_start3A_188 : memref<128xi32, #tpu.memory_space<vmem>>) semaphore(%arg7 : memref<!tpu.dma_semaphore, #tpu.memory_space<semaphore_mem>>)
        %mul3A_192 = arith.constant 5 : i32
        %mul3A_193 = arith.muli %add3A_125, %mul3A_192 : i32
        %add3A_194 = arith.constant 2 : i32
        %add3A_195 = arith.addi %mul3A_193, %add3A_194 : i32
        %mul3A_196 = arith.constant 128 : i32
        %mul3A_197 = arith.muli %add3A_195, %mul3A_196 : i32
        %dma_start3A_198 = arith.constant 0 : i32
        %dma_start3A_199 = arith.constant 0 : i32
        %dma_start3A_200 = tpu.memref_slice %arg6[%dma_start3A_198, %dma_start3A_199] : memref<1280x64xf32, #tpu.memory_space<vmem>> -> memref<640x64xf32, #tpu.memory_space<vmem>>
        %dma_start3A_201 = arith.constant 256 : i32
        %dma_start3A_202 = arith.constant 0 : i32
        %dma_start3A_203 = tpu.memref_slice %dma_start3A_200[%dma_start3A_201, %dma_start3A_202] : memref<640x64xf32, #tpu.memory_space<vmem>> -> memref<128x64xf32, #tpu.memory_space<vmem>>
        %dma_start3A_204 = tpu.memref_slice %arg5[%mul3A_197] : memref<25600xi32, #tpu.memory_space<vmem>> -> memref<128xi32, #tpu.memory_space<vmem>>
        %dma_start3A_205 = arith.constant 0 : i32
        %dma_start3A_206 = arith.constant 0 : i32
        %dma_start3A_207 = tpu.memref_slice %arg3[%dma_start3A_205, %dma_start3A_206] : memref<100000x64xf32, #tpu.memory_space<hbm>> -> memref<100000x64xf32, #tpu.memory_space<hbm>>
        tpu.enqueue_indirect_dma source(%dma_start3A_207 : memref<100000x64xf32, #tpu.memory_space<hbm>>) target(%dma_start3A_203 : memref<128x64xf32, #tpu.memory_space<vmem>>) offsets(%dma_start3A_204 : memref<128xi32, #tpu.memory_space<vmem>>) semaphore(%arg7 : memref<!tpu.dma_semaphore, #tpu.memory_space<semaphore_mem>>)
        %mul3A_208 = arith.constant 5 : i32
        %mul3A_209 = arith.muli %add3A_125, %mul3A_208 : i32
        %add3A_210 = arith.constant 3 : i32
        %add3A_211 = arith.addi %mul3A_209, %add3A_210 : i32
        %mul3A_212 = arith.constant 128 : i32
        %mul3A_213 = arith.muli %add3A_211, %mul3A_212 : i32
        %dma_start3A_214 = arith.constant 0 : i32
        %dma_start3A_215 = arith.constant 0 : i32
        %dma_start3A_216 = tpu.memref_slice %arg6[%dma_start3A_214, %dma_start3A_215] : memref<1280x64xf32, #tpu.memory_space<vmem>> -> memref<640x64xf32, #tpu.memory_space<vmem>>
        %dma_start3A_217 = arith.constant 384 : i32
        %dma_start3A_218 = arith.constant 0 : i32
        %dma_start3A_219 = tpu.memref_slice %dma_start3A_216[%dma_start3A_217, %dma_start3A_218] : memref<640x64xf32, #tpu.memory_space<vmem>> -> memref<128x64xf32, #tpu.memory_space<vmem>>
        %dma_start3A_220 = tpu.memref_slice %arg5[%mul3A_213] : memref<25600xi32, #tpu.memory_space<vmem>> -> memref<128xi32, #tpu.memory_space<vmem>>
        %dma_start3A_221 = arith.constant 0 : i32
        %dma_start3A_222 = arith.constant 0 : i32
        %dma_start3A_223 = tpu.memref_slice %arg3[%dma_start3A_221, %dma_start3A_222] : memref<100000x64xf32, #tpu.memory_space<hbm>> -> memref<100000x64xf32, #tpu.memory_space<hbm>>
        tpu.enqueue_indirect_dma source(%dma_start3A_223 : memref<100000x64xf32, #tpu.memory_space<hbm>>) target(%dma_start3A_219 : memref<128x64xf32, #tpu.memory_space<vmem>>) offsets(%dma_start3A_220 : memref<128xi32, #tpu.memory_space<vmem>>) semaphore(%arg7 : memref<!tpu.dma_semaphore, #tpu.memory_space<semaphore_mem>>)
        %mul3A_224 = arith.constant 5 : i32
        %mul3A_225 = arith.muli %add3A_125, %mul3A_224 : i32
        %add3A_226 = arith.constant 4 : i32
        %add3A_227 = arith.addi %mul3A_225, %add3A_226 : i32
        %mul3A_228 = arith.constant 128 : i32
        %mul3A_229 = arith.muli %add3A_227, %mul3A_228 : i32
        %dma_start3A_230 = arith.constant 0 : i32
        %dma_start3A_231 = arith.constant 0 : i32
        %dma_start3A_232 = tpu.memref_slice %arg6[%dma_start3A_230, %dma_start3A_231] : memref<1280x64xf32, #tpu.memory_space<vmem>> -> memref<640x64xf32, #tpu.memory_space<vmem>>
        %dma_start3A_233 = arith.constant 512 : i32
        %dma_start3A_234 = arith.constant 0 : i32
        %dma_start3A_235 = tpu.memref_slice %dma_start3A_232[%dma_start3A_233, %dma_start3A_234] : memref<640x64xf32, #tpu.memory_space<vmem>> -> memref<128x64xf32, #tpu.memory_space<vmem>>
        %dma_start3A_236 = tpu.memref_slice %arg5[%mul3A_229] : memref<25600xi32, #tpu.memory_space<vmem>> -> memref<128xi32, #tpu.memory_space<vmem>>
        %dma_start3A_237 = arith.constant 0 : i32
        %dma_start3A_238 = arith.constant 0 : i32
        %dma_start3A_239 = tpu.memref_slice %arg3[%dma_start3A_237, %dma_start3A_238] : memref<100000x64xf32, #tpu.memory_space<hbm>> -> memref<100000x64xf32, #tpu.memory_space<hbm>>
        tpu.enqueue_indirect_dma source(%dma_start3A_239 : memref<100000x64xf32, #tpu.memory_space<hbm>>) target(%dma_start3A_235 : memref<128x64xf32, #tpu.memory_space<vmem>>) offsets(%dma_start3A_236 : memref<128xi32, #tpu.memory_space<vmem>>) semaphore(%arg7 : memref<!tpu.dma_semaphore, #tpu.memory_space<semaphore_mem>>)
      } else {
      }
      %dma_wait3A_131 = arith.constant 640 : i32
      %dma_wait3A_132 = arith.constant 0 : i32
      %dma_wait3A_133 = tpu.memref_slice %arg6[%dma_wait3A_131, %dma_wait3A_132] : memref<1280x64xf32, #tpu.memory_space<vmem>> -> memref<640x64xf32, #tpu.memory_space<vmem>>
      %dma_wait3A_134 = arith.constant 0 : i32
      %dma_wait3A_135 = arith.constant 0 : i32
      %dma_wait3A_136 = tpu.memref_slice %arg3[%dma_wait3A_134, %dma_wait3A_135] : memref<100000x64xf32, #tpu.memory_space<hbm>> -> memref<640x64xf32, #tpu.memory_space<hbm>>
      %dma_wait3A_137 = arith.constant 640 : i32
      %dma_wait3A_138 = arith.constant 0 : i32
      %dma_wait3A_139 = tpu.memref_slice %arg6[%dma_wait3A_137, %dma_wait3A_138] : memref<1280x64xf32, #tpu.memory_space<vmem>> -> memref<640x64xf32, #tpu.memory_space<vmem>>
      %dma_wait3A_140 = arith.constant 0 : i32
      %dma_wait3A_141 = arith.constant 0 : i32
      %dma_wait3A_142 = tpu.memref_slice %arg3[%dma_wait3A_140, %dma_wait3A_141] : memref<100000x64xf32, #tpu.memory_space<hbm>> -> memref<640x64xf32, #tpu.memory_space<hbm>>
      tpu.wait_dma2 semaphore(%arg8 : memref<!tpu.dma_semaphore, #tpu.memory_space<semaphore_mem>>) src(%dma_wait3A_142 : memref<640x64xf32, #tpu.memory_space<hbm>>) dst(%dma_wait3A_139 : memref<640x64xf32, #tpu.memory_space<vmem>>)
      %mul3A_143 = arith.constant 640 : i32
      %mul3A_144 = arith.muli %add3A_123, %mul3A_143 : i32
      %add3A_145 = arith.addi %mul3A_2, %mul3A_144 : i32
      %dma_start3A_146 = arith.constant 640 : i32
      %dma_start3A_147 = arith.constant 0 : i32
      %dma_start3A_148 = tpu.memref_slice %arg6[%dma_start3A_146, %dma_start3A_147] : memref<1280x64xf32, #tpu.memory_space<vmem>> -> memref<640x64xf32, #tpu.memory_space<vmem>>
      %dma_start3A_149 = arith.constant 0 : i32
      %dma_start3A_150 = tpu.memref_slice %arg4[%add3A_145, %dma_start3A_149] : memref<819200x128xf32, #tpu.memory_space<hbm>> -> memref<640x64xf32, #tpu.memory_space<hbm>>
      %dma_start3A_151 = arith.constant 0 : i32
      %dma_start3A_152 = tpu.memref_slice %arg4[%add3A_145, %dma_start3A_151] : memref<819200x128xf32, #tpu.memory_space<hbm>> -> memref<640x64xf32, #tpu.memory_space<hbm>>
      %dma_start3A_153 = arith.constant 640 : i32
      %dma_start3A_154 = arith.constant 0 : i32
      %dma_start3A_155 = tpu.memref_slice %arg6[%dma_start3A_153, %dma_start3A_154] : memref<1280x64xf32, #tpu.memory_space<vmem>> -> memref<640x64xf32, #tpu.memory_space<vmem>>
      tpu.enqueue_dma source(%dma_start3A_155 : memref<640x64xf32, #tpu.memory_space<vmem>>) target(%dma_start3A_152 : memref<640x64xf32, #tpu.memory_space<hbm>>) target_semaphore(%arg10 : memref<!tpu.dma_semaphore, #tpu.memory_space<semaphore_mem>>)
    }
    %scan3A_62 = arith.constant 20 : i32
    %dma_wait3A = arith.constant 0 : i32
    %dma_wait3A_63 = arith.constant 0 : i32
    %dma_wait3A_64 = tpu.memref_slice %arg6[%dma_wait3A, %dma_wait3A_63] : memref<1280x64xf32, #tpu.memory_space<vmem>> -> memref<640x64xf32, #tpu.memory_space<vmem>>
    %dma_wait3A_65 = arith.constant 0 : i32
    %dma_wait3A_66 = arith.constant 0 : i32
    %dma_wait3A_67 = tpu.memref_slice %arg4[%dma_wait3A_65, %dma_wait3A_66] : memref<819200x128xf32, #tpu.memory_space<hbm>> -> memref<640x64xf32, #tpu.memory_space<hbm>>
    %dma_wait3A_68 = arith.constant 0 : i32
    %dma_wait3A_69 = arith.constant 0 : i32
    %dma_wait3A_70 = tpu.memref_slice %arg4[%dma_wait3A_68, %dma_wait3A_69] : memref<819200x128xf32, #tpu.memory_space<hbm>> -> memref<640x64xf32, #tpu.memory_space<hbm>>
    %dma_wait3A_71 = arith.constant 0 : i32
    %dma_wait3A_72 = arith.constant 0 : i32
    %dma_wait3A_73 = tpu.memref_slice %arg6[%dma_wait3A_71, %dma_wait3A_72] : memref<1280x64xf32, #tpu.memory_space<vmem>> -> memref<640x64xf32, #tpu.memory_space<vmem>>
    tpu.wait_dma2 semaphore(%arg9 : memref<!tpu.dma_semaphore, #tpu.memory_space<semaphore_mem>>) src(%dma_wait3A_73 : memref<640x64xf32, #tpu.memory_space<vmem>>) dst(%dma_wait3A_70 : memref<640x64xf32, #tpu.memory_space<hbm>>)
    %dma_wait3A_74 = arith.constant 640 : i32
    %dma_wait3A_75 = arith.constant 0 : i32
    %dma_wait3A_76 = tpu.memref_slice %arg6[%dma_wait3A_74, %dma_wait3A_75] : memref<1280x64xf32, #tpu.memory_space<vmem>> -> memref<640x64xf32, #tpu.memory_space<vmem>>
    %dma_wait3A_77 = arith.constant 0 : i32
    %dma_wait3A_78 = arith.constant 0 : i32
    %dma_wait3A_79 = tpu.memref_slice %arg4[%dma_wait3A_77, %dma_wait3A_78] : memref<819200x128xf32, #tpu.memory_space<hbm>> -> memref<640x64xf32, #tpu.memory_space<hbm>>
    %dma_wait3A_80 = arith.constant 0 : i32
    %dma_wait3A_81 = arith.constant 0 : i32
    %dma_wait3A_82 = tpu.memref_slice %arg4[%dma_wait3A_80, %dma_wait3A_81] : memref<819200x128xf32, #tpu.memory_space<hbm>> -> memref<640x64xf32, #tpu.memory_space<hbm>>
    %dma_wait3A_83 = arith.constant 640 : i32
    %dma_wait3A_84 = arith.constant 0 : i32
    %dma_wait3A_85 = tpu.memref_slice %arg6[%dma_wait3A_83, %dma_wait3A_84] : memref<1280x64xf32, #tpu.memory_space<vmem>> -> memref<640x64xf32, #tpu.memory_space<vmem>>
    tpu.wait_dma2 semaphore(%arg10 : memref<!tpu.dma_semaphore, #tpu.memory_space<semaphore_mem>>) src(%dma_wait3A_85 : memref<640x64xf32, #tpu.memory_space<vmem>>) dst(%dma_wait3A_82 : memref<640x64xf32, #tpu.memory_space<hbm>>)
    return
  }
}

</mosaic_0001>

<sc_bundles>
// kernel: _sc_gather.3.cloned.1.call-start
scs
__scs_entry_jumppad:
0x0: {  	(pc) =	sbr.rel $0x88, $3  }
0x1: {  	(tag) =	ssettag $0x0;
	lr =	simm.s32 $0x1  }
0x2: {  	[smem:$0x3F9F] =	sst lr;
	_ =	strace $0xD0000000  }
0x3: {  	_ = 	snop  }
0x4: {  	_ = 	snop  }
0x5: {  	_ = 	snop  }
0x6: {  	_ = 	snop  }
0x7: {  	_ = 	snop  }
__scs_overlays_trampoline_lowered:
0x8: {  	[smem:$0x3FAE] =	sst s0  }
0x9: {  	[smem:$0x3FAF] =	sst s1  }
0xa: {  	[smem:$0x3FB0] =	sst s2  }
0xb: {  	[smem:$0x3FB1] =	sst s3  }
0xc: {  	[smem:$0x3FB2] =	sst s4  }
0xd: {  	[smem:$0x3FB3] =	sst s5  }
0xe: {  	[smem:$0x3FB4] =	sst s6  }
0xf: {  	[smem:$0x3FB5] =	sst s7  }
0x10: {  	[smem:$0x3FB6] =	sst s8  }
0x11: {  	[smem:$0x3FB7] =	sst s9;
	s0 =	simm.s32 @!p0 $0x0  }
0x12: {  	s1 =	sld [smem:$0x3F9D];
	s0 =	simm.s32 @p0 $0x1  }
0x13: {  	[smem:$0x3FB8] =	sst s0;
	s0 =	simm.s32 @!p1 $0x0  }
0x14: {  	s2 =	sld [smem:$0x3F9C];
	s0 =	simm.s32 @p1 $0x1  }
0x15: {  	[smem:$0x3FB9] =	sst s0;
	s0 =	simm.s32 @!p2 $0x0  }
0x16: {  	s3 =	sld [smem:$0x3FDB];
	s0 =	simm.s32 @p2 $0x1  }
0x17: {  	s4 =	simm.s32 $0x1BF5;
	[smem:$0x3FBB] =	sst s0  }
0x18: {  	s0 =	sld [smem:$0x3F9E];
	_ =	swait.ge [sflag:s4], $0x0  }
0x19: {  	s7 =	sld [smem:$0x3F9F]  }
0x1a: {  	s8 =	sadd.s32 $0xFFFFE003, lr  }
0x1b: {  	s9 =	sadd.s32 $0xFFFFFEF7, lr;
	s5 =	simm.s32 $0xFFFFFFFF;
	p2 =	slt.u32 s8, $0xFFFFF086  }
0x1c: {  	p1 =	slt.u32 s9, $0xF7A;
	s5 =	simm.s32 @!p2 $0x0  }
0x1d: {  	s5 =	simm.s32 @p1 $0x1;
	p0 =	seq.s32 s7, s2  }
0x1e: {  	s7 =	smul.u32 @!p0 $0xF7A, s2;
	p2 =	seq.s32 @!p0 s5, $0x0  }
0x1f: {  	s9 =	smul.u32 $0xF7A, s1;
	s8 =	simm.s32 @!p0 $0x1BF5;
	p2 =	por !p2, p0  }
0x20: {  	[sflag:s8] =	ssyncset.s32 @!p0 $0xFFFFF086;
	s6 =	sadd.s32 @!p0 s3, s7;
	s7 =	simm.s32 @!p0 $0x108  }
0x21: {  	s3 =	sadd.s32 s3, s9;
	s6 =	sadd.s32 @!p0 $0x88, s6;
	s7 =	simm.s32 @p2 $0x1082  }
0x22: {  	[simem:s7], [sflag:s8] =	dma.local @!p0 [hbm:s6], $0xF7A  }
0x23: {  	s9 =	sor.u32 $0xD0000000, s2;
	s6 =	simm.s32 $0x108;
	_ =	swait.ge @!p0 [sflag:s8], $0x0  }
0x24: {  	s3 =	sadd.s32 $0x88, s3;
	s6 =	simm.s32 @!p1 $0x1082;
	[sflag:s4] =	ssyncset.s32 $0xFFFFF086  }
0x25: {  	[simem:s6], [sflag:s4] =	dma.local [hbm:s3], $0xF7A  }
0x26: {  	[smem:$0x3F9F] =	sst s1;
	(tag) =	ssettag s2;
	_ =	strace s9  }
0x27: {  	s1 =	sld [smem:$0x3FAF]  }
0x28: {  	s2 =	sld [smem:$0x3FB0]  }
0x29: {  	s4 =	sld [smem:$0x3FB2]  }
0x2a: {  	p0 =	seq.s32 s5, $0x0;
	s5 =	sld [smem:$0x3FB3]  }
0x2b: {  	s6 =	sld [smem:$0x3FB4]  }
0x2c: {  	s7 =	sld [smem:$0x3FB5]  }
0x2d: {  	s3 =	simm.s32 $0x108;
	s8 =	sld [smem:$0x3FB6]  }
0x2e: {  	s3 =	simm.s32 @!p0 $0x1082;
	s9 =	sld [smem:$0x3FB7]  }
0x2f: {  	lr =	sadd.s32 s0, s3;
	s0 =	sld [smem:$0x3FAE]  }
0x30: {  	s3 =	sld [smem:$0x3FB1]  }
0x31: {  	[smem:$0x3FBA] =	sst s10  }
0x32: {  	s10 =	sld [smem:$0x3FB8];
	_ =	sdelay $0x3  }
0x33: {  	p0 =	seq.s32 s10, $0x1;
	s10 =	sld [smem:$0x3FBA];
	_ =	sdelay $0x3  }
0x34: {  	[smem:$0x3FBA] =	sst s10  }
0x35: {  	s10 =	sld [smem:$0x3FB9];
	_ =	sdelay $0x3  }
0x36: {  	p1 =	seq.s32 s10, $0x1;
	s10 =	sld [smem:$0x3FBA];
	_ =	sdelay $0x3  }
0x37: {  	[smem:$0x3FBA] =	sst s10  }
0x38: {  	s10 =	sld [smem:$0x3FBB]  }
0x39: {  	_ = 	snop;
	(pc) =	sbr.ind lr, $3  }
0x3a: {  	_ = 	snop  }
0x3b: {  	_ = 	snop  }
0x3c: {  	p2 =	seq.s32 s10, $0x1;
	s10 =	sld [smem:$0x3FBA]  }
0x3d: {  	_ =	shalt  }
0x3e: {  	_ =	shalt  }
0x3f: {  	_ =	shalt  }
0x40: {  	_ =	shalt  }
0x41: {  	_ =	shalt  }
0x42: {  	_ =	shalt  }
0x43: {  	_ =	shalt  }
0x44: {  	_ =	shalt  }
0x45: {  	_ =	shalt  }
0x46: {  	_ =	shalt  }
0x47: {  	_ =	shalt  }
0x48: {  	_ =	shalt  }
0x49: {  	_ =	shalt  }
0x4a: {  	_ =	shalt  }
0x4b: {  	_ =	shalt  }
0x4c: {  	_ =	shalt  }
0x4d: {  	_ =	shalt  }
0x4e: {  	_ =	shalt  }
0x4f: {  	_ =	shalt  }
0x50: {  	_ =	shalt  }
0x51: {  	_ =	shalt  }
0x52: {  	_ =	shalt  }
0x53: {  	_ =	shalt  }
0x54: {  	_ =	shalt  }
0x55: {  	_ =	shalt  }
0x56: {  	_ =	shalt  }
0x57: {  	_ =	shalt  }
0x58: {  	_ =	shalt  }
0x59: {  	_ =	shalt  }
0x5a: {  	_ =	shalt  }
0x5b: {  	_ =	shalt  }
0x5c: {  	_ =	shalt  }
0x5d: {  	_ =	shalt  }
0x5e: {  	_ =	shalt  }
0x5f: {  	_ =	shalt  }
0x60: {  	_ =	shalt  }
0x61: {  	_ =	shalt  }
0x62: {  	_ =	shalt  }
0x63: {  	_ =	shalt  }
0x64: {  	_ =	shalt  }
0x65: {  	_ =	shalt  }
0x66: {  	_ =	shalt  }
0x67: {  	_ =	shalt  }
0x68: {  	_ =	shalt  }
0x69: {  	_ =	shalt  }
0x6a: {  	_ =	shalt  }
0x6b: {  	_ =	shalt  }
0x6c: {  	_ =	shalt  }
0x6d: {  	_ =	shalt  }
0x6e: {  	_ =	shalt  }
0x6f: {  	_ =	shalt  }
0x70: {  	_ =	shalt  }
0x71: {  	_ =	shalt  }
0x72: {  	_ =	shalt  }
0x73: {  	_ =	shalt  }
0x74: {  	_ =	shalt  }
0x75: {  	_ =	shalt  }
0x76: {  	_ =	shalt  }
0x77: {  	_ =	shalt  }
0x78: {  	_ =	shalt  }
0x79: {  	_ =	shalt  }
0x7a: {  	_ =	shalt  }
0x7b: {  	_ =	shalt  }
0x7c: {  	_ =	shalt  }
0x7d: {  	_ =	shalt  }
0x7e: {  	_ =	shalt  }
0x7f: {  	_ =	shalt  }
0x80: {  	_ =	shalt  }
0x81: {  	_ =	shalt  }
0x82: {  	_ =	shalt  }
0x83: {  	_ =	shalt  }
0x84: {  	_ =	shalt  }
0x85: {  	_ =	shalt  }
0x86: {  	_ =	shalt  }
0x87: {  	_ =	shalt  }
.Lfunc_end0:
.L_simem_size_0:
called_computation_lowered:
.L_overlay_start_0:
0x88: {  	s2 =	sld [smem:$0x3FD9]  }
0x89: {  	s3 =	sld [smem:$0x3FFE];
	_ =	sdelay $0x1  }
0x8a: {  	s1 =	srdreg.scid  }
0x8b: {  	s0 =	sand.u32 $0x1, s1  }
0x8c: {  	s17 =	sshll.u32 s0, $0xA;
	s2 =	sadd.s32 s3, s2  }
0x8d: {  	s2 =	sadd.s32 s2, s17  }
0x8e: {  	[smem:$0x3FC6] =	sst s2  }
0x8f: {  	_ = 	snop  }
0x90: {  	s2 =	sld [smem:$0x3FC9]  }
0x91: {  	s18 =	sld [smem:$0x3FD0];
	(tm) =	ssettm $0x1  }
0x92: {  	s4 =	sld [smem:$0x3FFB];
	_ =	sdelay $0x3  }
0x93: {  	_ =	strace s4  }
0x94: {  	s4 =	sld [smem:$0x3FFC];
	_ =	sdelay $0x3  }
0x95: {  	_ =	strace s4  }
0x96: {  	s4 =	sld [smem:$0x3FFD];
	_ =	sdelay $0x3  }
0x97: {  	_ =	strace s4  }
0x98: {  	_ =	strace $0x8FFFFFFF  }
0x99: {  	s19 =	sld [smem:$0x3FDB];
	_ =	sdelay $0x1  }
0x9a: {  	s5 =	simm.s32 $_scs_section_size  }
0x9b: {  	s6 =	simm.s32 $_size__tile_overlayer_lowered;
	s7 =	simm.s32 $_tile_overlayer_lowered  }
0x9c: {  	s22 =	simm.s32 $0x1BFF;
	s21 =	sshll.u32 s7, $0x1;
	s4 =	sadd.s32 s5, s19  }
0x9d: {  	s8 =	simm.s32 $0x0;
	s20 =	sshll.u32 s6, $0x1;
	s6 =	sadd.s32 s21, s4  }
0x9e: {  	[timem:s8], [sflag:s22] =	dma.local [hbm:s6], s20  }
0x9f: {  	_ =	swait.ge [sflag:s22], s20  }
0xa0: {  	s5 =	ssub.s32 $0x0, s20;
	[sflag:s22] =	ssyncset.done $0x0  }
0xa1: {  	[sflag:s22] =	ssyncadd.s32 s5;
	_ =	sdelay $0x1  }
0xa2: {  	s23 =	simm.s32 $0x1B8B  }
0xa3: {  	_ =	swait.ge [sflag:s23], $0x1  }
0xa4: {  	[sflag:s23] =	ssyncset.done $0x0  }
0xa5: {  	s25 =	simm.s32 $0x1B8E;
	s24 =	sld [smem:$0x3FFE];
	[sflag:s23] =	ssyncadd.s32 $0xFFFFFFFF  }
0xa6: {  	s26 =	simm.s32 $execute0_lowered;
	[smem:$0x3FD2] =	sst s25  }
0xa7: {  	s6 =	sshll.u32 s26, $0x1;
	_ =	strace $0x80000046;
	[dreg:$0x1] =	wrdreg $0xFFFFFFFF  }
0xa8: {  	s28 =	simm.s32 $_size_execute0_lowered;
	s4 =	sadd.s32 s4, s6;
	[dreg:$0x0] =	wrdreg $0x0  }
0xa9: {  	s6 =	sshll.u32 s28, $0x1;
	[dreg:$0x2] =	wrdreg s4  }
0xaa: {  	[dreg:$0x3] =	wrdreg s6  }
0xab: {  	[dreg:$0x4] =	wrdreg $0xC0  }
0xac: {  	_ =	task [dreg:s8], $0x5FFFF  }
0xad: {  	[dreg:$0x1] =	wrdreg $0xFFFFFFFF  }
0xae: {  	[dreg:$0x0] =	wrdreg $0x60  }
0xaf: {  	[dreg:$0x2] =	wrdreg s2  }
0xb0: {  	[dreg:$0x3] =	wrdreg s24  }
0xb1: {  	[dreg:$0x4] =	wrdreg s18  }
0xb2: {  	[dreg:$0x5] =	wrdreg $0x9  }
0xb3: {  	_ =	task.clear_ibuf [dreg:s8], $0x6FFFF;
	_ =	strace $0x90000046  }
0xb4: {  	s29 =	simm.s32 $0x9;
	_ =	strace $0x80000048  }
0xb5: {  	_ =	swait.ge [sflag:s29], $0x1  }
0xb6: {  	[sflag:s29] =	ssyncadd.s32 $0xFFFFFFFF  }
0xb7: {  	_ =	strace $0x90000048  }
0xb8: {  	_ =	sfence  }
0xb9: {  	s30 =	sld [smem:$0x0];
	_ =	sdelay $0x2  }
0xba: {  	s31 =	sshll.u32 s1, $0xD;
	s1 =	sshrl.u32 s1, $0x2  }
0xbb: {  	s3 =	sand.u32 $0x4000, s31;
	s1 =	sadd.s32 s1, s30  }
0xbc: {  	s0 =	sor.u32 s3, s0;
	s1 =	sshll.u32 s1, $0x11  }
0xbd: {  	s0 =	sor.u32 s1, s0  }
0xbe: {  	s0 =	sadd.s32 $0x8F2B, s0  }
0xbf: {  	[sflag:s0] =	ssyncadd.remote.s32 $0x1  }
0xc0: {  	_ =	sfence.sel $0xFFFF  }
0xc1: {  	[dreg:$0x0] =	wrdreg $0xFFFFFFFF;
	(pc) =	sbr.abs _section_cstart, $3  }
0xc2: {  	[dreg:$0x1] =	wrdreg $0xFFFFFFFF  }
0xc3: {  	_ =	task.clear_ibuf [dreg:s8], $0x2FFFF;
	_ =	strace $0x9FFFFFFF  }
0xc4: {  	(tm) =	ssettm $0x7FFFFFFF  }
0xc5: {  	_ =	shalt  }
tec
execute0_lowered:
.L_overlay_start_1:
0x0: {  	(tag) =	ssettag $0x1  }
0x1: {  	s0 =	rddreg [dreg:$0x0]  }
0x2: {  	s1 =	rddreg [dreg:$0x1]  }
0x3: {  	s2 =	srdreg.scid;
	s10 =	stileid.u32  }
0x4: {  	s9 =	rddreg [dreg:$0x2];
	s4 =	simm.s32 $0x0;
	s12 =	simm.s32 $0x5  }
0x5: {  	s13 =	simm.s32 $0x80;
	s14 =	simm.s32 $0x6400;
	s15 =	simm.s32 $0x8400  }
0x6: {  	s17 =	simm.s32 $0xA400;
	s19 =	simm.s32 $0xC400;
	s28 =	simm.s32 $0x14400  }
0x7: {  	s30 =	simm.s32 $0x16400;
	s16 =	simm.s32 $0x40;
	s7 =	smul.u32 $0xC800, s10  }
0x8: {  	s18 =	simm.s32 $0x3;
	s2 =	sand.u32 $0x1, s2;
	s24 =	smul.u32 $0xC8000, s10  }
0x9: {  	s31 =	simm.s32 $0x2;
	s3 =	sshll.u32 s10, $0x1;
	s8 =	smul.u32 $0x6400, s2  }
0xa: {  	s20 =	simm.s32 $0x4;
	s3 =	sor.u32 s2, s3;
	s25 =	smul.u32 $0x64000, s2  }
0xb: {  	[smem:$0x7FF] =	sst s4;
	s5 =	ssub.s32 $0x2, s2;
	s21 =	smul.u32 $0x6400, s3  }
0xc: {  	_ =	strace $0x80000047;
	s6 =	smul.u32 $0x64000, s3;
	s22 =	sshrl.u32 s5, $0x1  }
0xd: {  	s3 =	sadd.s32 $0x400, s1;
	s1 =	ssub.s32 s5, s22;
	s26 =	sadd.s32 s8, s7  }
0xe: {  	s4 =	sshrl.u32 s21, $0x3;
	s23 =	smax.u32 s1, $0x1;
	s6 =	sadd.s32 s9, s6  }
0xf: {  	s2 =	sshll.u32 s26, $0x4;
	s21 =	simm.s32 $0xE400;
	s1 =	simm.s32 $0x18400  }
0x10: {  	s0 =	sadd.s32 s0, s4;
	[dreg:$0x5] =	wrdreg s23;
	s7 =	sadd.s32 $0x2800, s6  }
0x11: {  	s8 =	sadd.s32 $0x5F000, s6;
	s29 =	sadd.s32 s9, s2;
	s23 =	simm.s32 $0x10400  }
0x12: {  	[dreg:$0x4] =	wrdreg s0;
	s0 =	sadd.s32 s24, s9;
	s9 =	sadd.s32 $0x61800, s6  }
0x13: {  	s2 =	sadd.s32 $0x7800, s29;
	s24 =	simm.s32 $0x0;
	s0 =	sadd.s32 s25, s0  }
0x14: {  	s25 =	simm.s32 $0x12400;
	s10 =	sadd.s32 $0x5000, s0;
	s0 =	simm.s32 $0x1  }
.LBB2_1:
0x15: {  	s4 =	simm.s32 $0x0;
	s5 =	rddreg [dreg:$0x4]  }
0x16: {  	[tilespmem:s4], [sflag:$0x5] =	stream.linear.gather [hbm4b:s5+s4], $0x6400, $0x38;
	[tilespmem:$0x1A400] =	vst v63  }
0x17: {  	_ =	swait.ge [sflag:s12], $0x6400  }
0x18: {  	[sflag:s12] =	ssyncset.done $0x0  }
0x19: {  	[sflag:s12] =	ssyncadd.s32 $0xFFFF9C00  }
0x1a: {  	[tilespmem:s14], [sflag:$0x1] =	stream.indirect.gather [hbm4b:s3+s13], $0x40, s4, s13, $0xb8;
	[tilespmem:$0x1A400] =	vst v63  }
0x1b: {  	_ = 	snop  }
0x1c: {  	[tilespmem:s15], [sflag:$0x1] =	stream.indirect.gather [hbm4b:s3+s13], $0x40, s13, s13, $0xb8;
	[tilespmem:$0x1A400] =	vst v63  }
0x1d: {  	s22 =	simm.s32 $0x100  }
0x1e: {  	[tilespmem:s17], [sflag:$0x1] =	stream.indirect.gather [hbm4b:s3+s13], $0x40, s22, s13, $0xb8;
	[tilespmem:$0x1A400] =	vst v63  }
0x1f: {  	s26 =	simm.s32 $0x180  }
0x20: {  	[tilespmem:s19], [sflag:$0x1] =	stream.indirect.gather [hbm4b:s3+s13], $0x40, s26, s13, $0xb8;
	[tilespmem:$0x1A400] =	vst v63  }
0x21: {  	s5 =	simm.s32 $0x200  }
0x22: {  	[tilespmem:s21], [sflag:$0x1] =	stream.indirect.gather [hbm4b:s3+s13], $0x40, s5, s13, $0xb8;
	[tilespmem:$0x1A400] =	vst v63  }
0x23: {  	s11 =	simm.s32 $0x280  }
0x24: {  	[tilespmem:s23], [sflag:$0x2] =	stream.indirect.gather [hbm4b:s3+s13], $0x40, s11, s13, $0xb8;
	[tilespmem:$0x1A400] =	vst v63  }
0x25: {  	s22 =	simm.s32 $0x300  }
0x26: {  	[tilespmem:s25], [sflag:$0x2] =	stream.indirect.gather [hbm4b:s3+s13], $0x40, s22, s13, $0xb8;
	[tilespmem:$0x1A400] =	vst v63  }
0x27: {  	s26 =	simm.s32 $0x380  }
0x28: {  	[tilespmem:s28], [sflag:$0x2] =	stream.indirect.gather [hbm4b:s3+s13], $0x40, s26, s13, $0xb8;
	[tilespmem:$0x1A400] =	vst v63  }
0x29: {  	s5 =	simm.s32 $0x400  }
0x2a: {  	[tilespmem:s30], [sflag:$0x2] =	stream.indirect.gather [hbm4b:s3+s13], $0x40, s5, s13, $0xb8;
	[tilespmem:$0x1A400] =	vst v63  }
0x2b: {  	s11 =	simm.s32 $0x480  }
0x2c: {  	[tilespmem:s1], [sflag:$0x2] =	stream.indirect.gather [hbm4b:s3+s13], $0x40, s11, s13, $0xb8;
	[tilespmem:$0x1A400] =	vst v63  }
0x2d: {  	_ =	swait.ge [sflag:s0], $0xA000  }
0x2e: {  	[sflag:s0] =	ssyncset.done $0x0  }
0x2f: {  	[sflag:s0] =	ssyncadd.s32 $0xFFFF6000  }
0x30: {  	[hbm4b:s6+s16] =	stream.strided.scatter [tilespmem:s14], [sflag:$0x3], $0xA000, s13, s16, $0x38;
	[tilespmem:$0x1A400] =	vst v63  }
0x31: {  	_ =	swait.ge [sflag:s18], $0xA000  }
0x32: {  	[sflag:s18] =	ssyncset.done $0x0  }
0x33: {  	s22 =	simm.s32 $0x500;
	[sflag:s18] =	ssyncadd.s32 $0xFFFF6000  }
0x34: {  	[tilespmem:s14], [sflag:$0x1] =	stream.indirect.gather [hbm4b:s3+s13], $0x40, s22, s13, $0xb8;
	[tilespmem:$0x1A400] =	vst v63  }
0x35: {  	s26 =	simm.s32 $0x580  }
0x36: {  	[tilespmem:s15], [sflag:$0x1] =	stream.indirect.gather [hbm4b:s3+s13], $0x40, s26, s13, $0xb8;
	[tilespmem:$0x1A400] =	vst v63  }
0x37: {  	s5 =	simm.s32 $0x600  }
0x38: {  	[tilespmem:s17], [sflag:$0x1] =	stream.indirect.gather [hbm4b:s3+s13], $0x40, s5, s13, $0xb8;
	[tilespmem:$0x1A400] =	vst v63  }
0x39: {  	s11 =	simm.s32 $0x680  }
0x3a: {  	[tilespmem:s19], [sflag:$0x1] =	stream.indirect.gather [hbm4b:s3+s13], $0x40, s11, s13, $0xb8;
	[tilespmem:$0x1A400] =	vst v63  }
0x3b: {  	s22 =	simm.s32 $0x700  }
0x3c: {  	[tilespmem:s21], [sflag:$0x1] =	stream.indirect.gather [hbm4b:s3+s13], $0x40, s22, s13, $0xb8;
	[tilespmem:$0x1A400] =	vst v63  }
0x3d: {  	_ =	swait.ge [sflag:s31], $0xA000  }
0x3e: {  	[sflag:s31] =	ssyncset.done $0x0  }
0x3f: {  	[sflag:s31] =	ssyncadd.s32 $0xFFFF6000  }
0x40: {  	[hbm4b:s7+s16] =	stream.strided.scatter [tilespmem:s23], [sflag:$0x4], $0xA000, s13, s16, $0x38;
	[tilespmem:$0x1A400] =	vst v63  }
0x41: {  	_ =	swait.ge [sflag:s20], $0xA000  }
0x42: {  	[sflag:s20] =	ssyncset.done $0x0  }
0x43: {  	s11 =	simm.s32 $0x780;
	[sflag:s20] =	ssyncadd.s32 $0xFFFF6000  }
0x44: {  	[tilespmem:s23], [sflag:$0x2] =	stream.indirect.gather [hbm4b:s3+s13], $0x40, s11, s13, $0xb8;
	[tilespmem:$0x1A400] =	vst v63  }
0x45: {  	s26 =	simm.s32 $0x800  }
0x46: {  	[tilespmem:s25], [sflag:$0x2] =	stream.indirect.gather [hbm4b:s3+s13], $0x40, s26, s13, $0xb8;
	[tilespmem:$0x1A400] =	vst v63  }
0x47: {  	s4 =	simm.s32 $0x880  }
0x48: {  	[tilespmem:s28], [sflag:$0x2] =	stream.indirect.gather [hbm4b:s3+s13], $0x40, s4, s13, $0xb8;
	[tilespmem:$0x1A400] =	vst v63  }
0x49: {  	s5 =	simm.s32 $0x900  }
0x4a: {  	[tilespmem:s30], [sflag:$0x2] =	stream.indirect.gather [hbm4b:s3+s13], $0x40, s5, s13, $0xb8;
	[tilespmem:$0x1A400] =	vst v63  }
0x4b: {  	s22 =	simm.s32 $0x980  }
0x4c: {  	[tilespmem:s1], [sflag:$0x2] =	stream.indirect.gather [hbm4b:s3+s13], $0x40, s22, s13, $0xb8;
	[tilespmem:$0x1A400] =	vst v63  }
0x4d: {  	_ =	swait.ge [sflag:s0], $0xA000  }
0x4e: {  	[sflag:s0] =	ssyncset.done $0x0  }
0x4f: {  	[sflag:s0] =	ssyncadd.s32 $0xFFFF6000  }
0x50: {  	[hbm4b:s10+s16] =	stream.strided.scatter [tilespmem:s14], [sflag:$0x3], $0xA000, s13, s16, $0x38;
	[tilespmem:$0x1A400] =	vst v63  }
0x51: {  	_ =	swait.ge [sflag:s18], $0xA000  }
0x52: {  	[sflag:s18] =	ssyncset.done $0x0  }
0x53: {  	s26 =	simm.s32 $0xA00;
	[sflag:s18] =	ssyncadd.s32 $0xFFFF6000  }
0x54: {  	[tilespmem:s14], [sflag:$0x1] =	stream.indirect.gather [hbm4b:s3+s13], $0x40, s26, s13, $0xb8;
	[tilespmem:$0x1A400] =	vst v63  }
0x55: {  	s4 =	simm.s32 $0xA80  }
0x56: {  	[tilespmem:s15], [sflag:$0x1] =	stream.indirect.gather [hbm4b:s3+s13], $0x40, s4, s13, $0xb8;
	[tilespmem:$0x1A400] =	vst v63  }
0x57: {  	s5 =	simm.s32 $0xB00  }
0x58: {  	[tilespmem:s17], [sflag:$0x1] =	stream.indirect.gather [hbm4b:s3+s13], $0x40, s5, s13, $0xb8;
	[tilespmem:$0x1A400] =	vst v63  }
0x59: {  	s22 =	simm.s32 $0xB80  }
0x5a: {  	[tilespmem:s19], [sflag:$0x1] =	stream.indirect.gather [hbm4b:s3+s13], $0x40, s22, s13, $0xb8;
	[tilespmem:$0x1A400] =	vst v63  }
0x5b: {  	s26 =	simm.s32 $0xC00  }
0x5c: {  	[tilespmem:s21], [sflag:$0x1] =	stream.indirect.gather [hbm4b:s3+s13], $0x40, s26, s13, $0xb8;
	[tilespmem:$0x1A400] =	vst v63  }
0x5d: {  	_ =	swait.ge [sflag:s31], $0xA000  }
0x5e: {  	s29 =	sadd.s32 $0x5000, s10;
	s11 =	smov.u32 s2;
	[sflag:s31] =	ssyncset.done $0x0  }
0x5f: {  	s22 =	sadd.s32 $0x5000, s2;
	s26 =	simm.s32 $0x1400;
	[sflag:s31] =	ssyncadd.s32 $0xFFFF6000  }
.LBB2_2:
0x60: {  	[hbm4b:s11+s16] =	stream.strided.scatter [tilespmem:s23], [sflag:$0x4], $0xA000, s13, s16, $0x38;
	[tilespmem:$0x1A400] =	vst v63  }
0x61: {  	s4 =	smov.u32 s26;
	s11 =	smov.u32 s22  }
0x62: {  	p0 =	sne.s32 s26, $0x15400;
	s26 =	sadd.s32 $0x1400, s26;
	_ =	swait.ge [sflag:s20], $0xA000  }
0x63: {  	s4 =	sshra.s32 s4, $0x2;
	[sflag:s20] =	ssyncset.done $0x0  }
0x64: {  	s5 =	sadd.s32 $0x780, s4;
	[sflag:s20] =	ssyncadd.s32 $0xFFFF6000  }
0x65: {  	[tilespmem:s23], [sflag:$0x2] =	stream.indirect.gather [hbm4b:s3+s13], $0x40, s5, s13, $0xb8;
	[tilespmem:$0x1A400] =	vst v63  }
0x66: {  	s5 =	sadd.s32 $0x800, s4  }
0x67: {  	[tilespmem:s25], [sflag:$0x2] =	stream.indirect.gather [hbm4b:s3+s13], $0x40, s5, s13, $0xb8;
	[tilespmem:$0x1A400] =	vst v63  }
0x68: {  	s5 =	sadd.s32 $0x880, s4  }
0x69: {  	[tilespmem:s28], [sflag:$0x2] =	stream.indirect.gather [hbm4b:s3+s13], $0x40, s5, s13, $0xb8;
	[tilespmem:$0x1A400] =	vst v63  }
0x6a: {  	s5 =	sadd.s32 $0x900, s4  }
0x6b: {  	[tilespmem:s30], [sflag:$0x2] =	stream.indirect.gather [hbm4b:s3+s13], $0x40, s5, s13, $0xb8;
	[tilespmem:$0x1A400] =	vst v63  }
0x6c: {  	s5 =	sadd.s32 $0x980, s4  }
0x6d: {  	[tilespmem:s1], [sflag:$0x2] =	stream.indirect.gather [hbm4b:s3+s13], $0x40, s5, s13, $0xb8;
	[tilespmem:$0x1A400] =	vst v63  }
0x6e: {  	_ =	swait.ge [sflag:s0], $0xA000  }
0x6f: {  	[sflag:s0] =	ssyncset.done $0x0  }
0x70: {  	[sflag:s0] =	ssyncadd.s32 $0xFFFF6000  }
0x71: {  	[hbm4b:s29+s16] =	stream.strided.scatter [tilespmem:s14], [sflag:$0x3], $0xA000, s13, s16, $0x38;
	[tilespmem:$0x1A400] =	vst v63  }
0x72: {  	_ =	swait.ge [sflag:s18], $0xA000  }
0x73: {  	[sflag:s18] =	ssyncset.done $0x0  }
0x74: {  	s5 =	sadd.s32 $0xA00, s4;
	[sflag:s18] =	ssyncadd.s32 $0xFFFF6000  }
0x75: {  	[tilespmem:s14], [sflag:$0x1] =	stream.indirect.gather [hbm4b:s3+s13], $0x40, s5, s13, $0xb8;
	[tilespmem:$0x1A400] =	vst v63  }
0x76: {  	s5 =	sadd.s32 $0xA80, s4  }
0x77: {  	[tilespmem:s15], [sflag:$0x1] =	stream.indirect.gather [hbm4b:s3+s13], $0x40, s5, s13, $0xb8;
	[tilespmem:$0x1A400] =	vst v63  }
0x78: {  	s5 =	sadd.s32 $0xB00, s4  }
0x79: {  	[tilespmem:s17], [sflag:$0x1] =	stream.indirect.gather [hbm4b:s3+s13], $0x40, s5, s13, $0xb8;
	[tilespmem:$0x1A400] =	vst v63  }
0x7a: {  	s5 =	sadd.s32 $0xB80, s4  }
0x7b: {  	[tilespmem:s19], [sflag:$0x1] =	stream.indirect.gather [hbm4b:s3+s13], $0x40, s5, s13, $0xb8;
	[tilespmem:$0x1A400] =	vst v63  }
.Ltmp0:
0x7c: {  	s4 =	sadd.s32 $0xC00, s4;
	(pc) =	sbr.rel @p0 .LBB2_2-.Ltmp0, $4  }
0x7d: {  	[tilespmem:s21], [sflag:$0x1] =	stream.indirect.gather [hbm4b:s3+s13], $0x40, s4, s13, $0xb8;
	[tilespmem:$0x1A400] =	vst v63  }
0x7e: {  	_ =	swait.ge [sflag:s31], $0xA000  }
0x7f: {  	[sflag:s31] =	ssyncset.done $0x0  }
0x80: {  	s22 =	sadd.s32 $0x5000, s22;
	s29 =	sadd.s32 $0x5000, s29;
	[sflag:s31] =	ssyncadd.s32 $0xFFFF6000  }
0x81: {  	[hbm4b:s11+s16] =	stream.strided.scatter [tilespmem:s23], [sflag:$0x4], $0xA000, s13, s16, $0x38;
	[tilespmem:$0x1A400] =	vst v63  }
0x82: {  	_ =	swait.ge [sflag:s20], $0xA000  }
0x83: {  	[sflag:s20] =	ssyncset.done $0x0  }
0x84: {  	s4 =	simm.s32 $0x6180;
	[sflag:s20] =	ssyncadd.s32 $0xFFFF6000  }
0x85: {  	[tilespmem:s23], [sflag:$0x2] =	stream.indirect.gather [hbm4b:s3+s13], $0x40, s4, s13, $0xb8;
	[tilespmem:$0x1A400] =	vst v63  }
0x86: {  	s5 =	simm.s32 $0x6200  }
0x87: {  	[tilespmem:s25], [sflag:$0x2] =	stream.indirect.gather [hbm4b:s3+s13], $0x40, s5, s13, $0xb8;
	[tilespmem:$0x1A400] =	vst v63  }
0x88: {  	s11 =	simm.s32 $0x6280  }
0x89: {  	[tilespmem:s28], [sflag:$0x2] =	stream.indirect.gather [hbm4b:s3+s13], $0x40, s11, s13, $0xb8;
	[tilespmem:$0x1A400] =	vst v63  }
0x8a: {  	s22 =	simm.s32 $0x6300  }
0x8b: {  	[tilespmem:s30], [sflag:$0x2] =	stream.indirect.gather [hbm4b:s3+s13], $0x40, s22, s13, $0xb8;
	[tilespmem:$0x1A400] =	vst v63  }
0x8c: {  	s26 =	simm.s32 $0x6380  }
0x8d: {  	[tilespmem:s1], [sflag:$0x2] =	stream.indirect.gather [hbm4b:s3+s13], $0x40, s26, s13, $0xb8;
	[tilespmem:$0x1A400] =	vst v63  }
0x8e: {  	_ =	swait.ge [sflag:s0], $0xA000  }
0x8f: {  	[sflag:s0] =	ssyncset.done $0x0  }
0x90: {  	[sflag:s0] =	ssyncadd.s32 $0xFFFF6000  }
0x91: {  	[hbm4b:s8+s16] =	stream.strided.scatter [tilespmem:s14], [sflag:$0x3], $0xA000, s13, s16, $0x38;
	[tilespmem:$0x1A400] =	vst v63  }
0x92: {  	_ =	swait.ge [sflag:s31], $0xA000  }
0x93: {  	[sflag:s31] =	ssyncset.done $0x0  }
0x94: {  	[sflag:s31] =	ssyncadd.s32 $0xFFFF6000  }
0x95: {  	[hbm4b:s9+s16] =	stream.strided.scatter [tilespmem:s23], [sflag:$0x4], $0xA000, s13, s16, $0x38;
	[tilespmem:$0x1A400] =	vst v63  }
0x96: {  	_ =	swait.ge [sflag:s18], $0xA000  }
0x97: {  	[sflag:s18] =	ssyncset.done $0x0  }
0x98: {  	[sflag:s18] =	ssyncadd.s32 $0xFFFF6000  }
0x99: {  	_ =	swait.ge [sflag:s20], $0xA000  }
0x9a: {  	s24 =	sadd.s32 $0x1, s24;
	s29 =	rddreg [dreg:$0x5]  }
0x9b: {  	p0 =	sne.s32 s24, s29  }
.Ltmp1:
0x9c: {  	_ = 	snop;
	(pc) =	sbr.rel @p0 .LBB2_1-.Ltmp1, $3  }
0x9d: {  	_ =	sdelay $0x1  }
0x9e: {  	[sflag:s20] =	ssyncset.done $0x0  }
0x9f: {  	[sflag:s20] =	ssyncadd.s32 $0xFFFF6000  }
0xa0: {  	_ =	sfence.sel $0x180000  }
0xa1: {  	[bflag:$0x0] =	sbarrier.arrive $0xFFFF  }
0xa2: {  	_ =	strace $0x90000047  }
0xa3: {  	s0 =	stileid.u32;
	[bflag:$0x2] =	sbarrier.arrive $0xFFFF  }
0xa4: {  	p0 =	sne.s32 s0, $0x0;
	s0 =	rddreg [dreg:$0x3]  }
0xa5: {  	s0 =	sadd.s32 @!p0 $0x100000, s0  }
0xa6: {  	[sflag:s0] =	ssyncadd.tile.s32 @!p0 $0x1;
	_ =	shalt  }
.Lfunc_end2:
_tile_overlayer_lowered:
.L_overlay_start_2:
0xa7: {  	(tag) =	ssettag $0x2  }
0xa8: {  	s0 =	rddreg [dreg:$0x0];
	s2 =	stileid.u32  }
0xa9: {  	s1 =	rddreg [dreg:$0x1];
	p0 =	sne.s32 s2, $0x0  }
0xaa: {  	s3 =	rddreg [dreg:$0x2];
	[bflag:$0x3] =	sbarrier.arrive $0xFFFF;
	s2 =	simm.s32 @!p0 $0x1C05  }
0xab: {  	[timem:s3], [sflag:s2] =	dma.local @!p0 [hbm:s0], s1  }
0xac: {  	s0 =	simm.s32 @!p0 $0x5  }
0xad: {  	_ =	swait.ge @!p0 [sflag:s0], s1  }
0xae: {  	s1 =	ssub.s32 @!p0 $0x0, s1;
	[sflag:s0] =	ssyncset.done @!p0 $0x0  }
0xaf: {  	[sflag:s0] =	ssyncadd.s32 @!p0 s1  }
0xb0: {  	[bflag:$0x3] =	sbarrier.arrive $0xFFFF  }
0xb1: {  	_ =	shalt  }

</sc_bundles>
